<compile_context>
chip_gen: v7x
topology: tpu7x:2x2x1
jax: 0.10.2.dev20260603
libtpu: 0.0.44.dev20260713+nightly
codegen_flags: <defaults>
</compile_context>

<pallas_src>
import functools

import jax
import jax.numpy as jnp
from jax import lax
from jax.experimental import pallas as pl
from jax.experimental.pallas import tpu as pltpu
from jax.experimental.pallas import tpu_sc as plsc

LENGTH = 2048
N_PAIRS = 16

_mesh = plsc.ScalarSubcoreMesh(axis_name="c", num_cores=1)


@functools.partial(
    pl.kernel,
    mesh=_mesh,
    out_type=jax.ShapeDtypeStruct((N_PAIRS, 2), jnp.int32),
    scratch_types=[pltpu.SMEM((N_PAIRS, 2), jnp.int32)],
)
def _trunc_sc(idx_hbm, out_hbm, scratch):
    cid = lax.axis_index("c")

    @pl.when(cid == 0)
    def _():
        pltpu.sync_copy(idx_hbm, scratch)
        for i in range(N_PAIRS):
            b = scratch[i, 0]
            e = scratch[i, 1]
            scratch[i, 1] = jnp.minimum(b + LENGTH, e)
        pltpu.sync_copy(scratch, out_hbm)


_COPY_BLOCK = 2048
_HEAD_BLOCKS = 3


def _copy_head_body(x_ref, o_ref):
    o_ref[...] = x_ref[...]


def _tc_copy_head(values):
    rows, cols = values.shape
    return pl.pallas_call(
        _copy_head_body,
        grid=(_HEAD_BLOCKS,),
        in_specs=[pl.BlockSpec((_COPY_BLOCK, cols), lambda i: (i, 0))],
        out_specs=pl.BlockSpec((_COPY_BLOCK, cols), lambda i: (i, 0)),
        out_shape=jax.ShapeDtypeStruct(values.shape, values.dtype),
    )(values)


def _copy_tail_body(nblocks, _, x_ref, idx_ref, o_ref, idx_out_ref):
    o_ref[...] = x_ref[...]

    @pl.when(pl.program_id(0) == nblocks - 1)
    def _():
        idx_out_ref[...] = idx_ref[...]


def _tc_copy_tail(partial, values, idx):
    rows, cols = values.shape
    nblocks = rows // _COPY_BLOCK - _HEAD_BLOCKS
    return pl.pallas_call(
        functools.partial(_copy_tail_body, nblocks),
        grid=(nblocks,),
        in_specs=[
            pl.BlockSpec(memory_space=pl.ANY),
            pl.BlockSpec((_COPY_BLOCK, cols), lambda i: (i + _HEAD_BLOCKS, 0)),
            pl.BlockSpec((N_PAIRS, 2), lambda i: (0, 0)),
        ],
        out_specs=(
            pl.BlockSpec((_COPY_BLOCK, cols), lambda i: (i + _HEAD_BLOCKS, 0)),
            pl.BlockSpec((N_PAIRS, 2), lambda i: (0, 0)),
        ),
        out_shape=(
            jax.ShapeDtypeStruct(values.shape, values.dtype),
            jax.ShapeDtypeStruct((N_PAIRS, 2), jnp.int32),
        ),
        input_output_aliases={0: 0},
    )(partial, values, idx)


def kernel(values, indices):
    partial = _tc_copy_head(values)
    partial, indices = lax.optimization_barrier((partial, indices))
    trunc = _trunc_sc(indices)
    vals_out, idx_out = _tc_copy_tail(partial, values, trunc)
    return (vals_out, idx_out)

# --- scband reference (transcript-rebuilt; emitter-appended) ---
"""Pipeline reference for scband-sparse-trunc-90829968375933 (READ-ONLY COPY).

The authoritative reference and input builder live on the scoring server;
editing this copy changes nothing except your own understanding.
"""

import jax, jax.numpy as jnp
import numpy as np

LENGTH = 2048

def setup_inputs(seed: int = 0) -> dict:
    key = jax.random.key(seed)
    k1, k2 = jax.random.split(key)
    values = jax.random.normal(k1, (32768, 1024), dtype=jnp.float32)
    # indices[:, 0] = begin, indices[:, 1] = end; sort along last axis so begin <= end
    indices = jnp.sort(jax.random.randint(k2, (16, 2), 0, 32768), axis=1).astype(jnp.int64)
    return {"values": values, "indices": indices}

def reference(values, indices):
    # SparseTruncIndices: end = min(begin + length, end)
    begin = indices[:, 0]
    end = indices[:, 1]
    end = jnp.minimum(begin + LENGTH, end)
    new_indices = jnp.stack([begin, end], axis=1)
    # SparseTrunc: values pass through unchanged
    return (values, new_indices)

if __name__ == "__main__":
    import jax
    _d = setup_inputs()
    print(jax.jit(kernel)(*tuple(_d.values())))

</pallas_src>

<mosaic_0001>
#map = affine_map<(d0) -> (0, 0)>
module attributes {stable_mosaic.version = 14 : i64} {
  func.func @_trunc_sc(%arg0: i32, %arg1: memref<16x2xi32, #tpu.memory_space<hbm>>, %arg2: memref<16x2xi32, #tpu.memory_space<hbm>>, %arg3: memref<16x2xi32, #tpu.memory_space<smem>>) attributes {dimension_semantics = [#tpu.dimension_semantics<core_parallel>], iteration_bounds = array<i64: 1>, scalar_prefetch = 0 : i64, scratch_operands = 1 : i64, tpu.core_type = #tpu.core_type<sc_scalar_subcore>, window_params = [{transform_indices = #map}, {transform_indices = #map}]} {
    %eq3A = arith.constant 0 : i32
    %eq3A_0 = arith.cmpi eq, %arg0, %eq3A : i32
    %convert_element_type3A = arith.extui %eq3A_0 : i1 to i32
    %cond3A = arith.constant 0 : i32
    %cond3A_1 = arith.cmpi ne, %convert_element_type3A, %cond3A : i32
    scf.if %cond3A_1 {
      "tpu.region"() ({
        %run_scoped3A = tpu.sem_alloc : memref<!tpu.dma_semaphore, #tpu.memory_space<semaphore_mem>>
        tpu.enqueue_dma source(%arg1 : memref<16x2xi32, #tpu.memory_space<hbm>>) target(%arg3 : memref<16x2xi32, #tpu.memory_space<smem>>) target_semaphore(%run_scoped3A : memref<!tpu.dma_semaphore, #tpu.memory_space<semaphore_mem>>)
        tpu.wait_dma2 semaphore(%run_scoped3A : memref<!tpu.dma_semaphore, #tpu.memory_space<semaphore_mem>>) src(%arg1 : memref<16x2xi32, #tpu.memory_space<hbm>>) dst(%arg3 : memref<16x2xi32, #tpu.memory_space<smem>>)
        tpu.yield
      }) : () -> ()
      %get3A = arith.constant 0 : i32
      %get3A_2 = arith.constant 0 : i32
      %get3A_3 = arith.index_cast %get3A : i32 to index
      %get3A_4 = arith.index_cast %get3A_2 : i32 to index
      %get3A_5 = memref.load %arg3[%get3A_3, %get3A_4] : memref<16x2xi32, #tpu.memory_space<smem>>
      %get3A_6 = arith.constant 0 : i32
      %get3A_7 = arith.constant 1 : i32
      %get3A_8 = arith.index_cast %get3A_6 : i32 to index
      %get3A_9 = arith.index_cast %get3A_7 : i32 to index
      %get3A_10 = memref.load %arg3[%get3A_8, %get3A_9] : memref<16x2xi32, #tpu.memory_space<smem>>
      %add3A = arith.constant 2048 : i32
      %add3A_11 = arith.addi %get3A_5, %add3A : i32
      %min3A = arith.minsi %add3A_11, %get3A_10 : i32
      %swap3A = arith.constant 0 : i32
      %swap3A_12 = arith.constant 1 : i32
      %swap3A_13 = arith.index_cast %swap3A : i32 to index
      %swap3A_14 = arith.index_cast %swap3A_12 : i32 to index
      %swap3A_15 = memref.load %arg3[%swap3A_13, %swap3A_14] : memref<16x2xi32, #tpu.memory_space<smem>>
      memref.store %min3A, %arg3[%swap3A_13, %swap3A_14] : memref<16x2xi32, #tpu.memory_space<smem>>
      %get3A_16 = arith.constant 1 : i32
      %get3A_17 = arith.constant 0 : i32
      %get3A_18 = arith.index_cast %get3A_16 : i32 to index
      %get3A_19 = arith.index_cast %get3A_17 : i32 to index
      %get3A_20 = memref.load %arg3[%get3A_18, %get3A_19] : memref<16x2xi32, #tpu.memory_space<smem>>
      %get3A_21 = arith.constant 1 : i32
      %get3A_22 = arith.constant 1 : i32
      %get3A_23 = arith.index_cast %get3A_21 : i32 to index
      %get3A_24 = arith.index_cast %get3A_22 : i32 to index
      %get3A_25 = memref.load %arg3[%get3A_23, %get3A_24] : memref<16x2xi32, #tpu.memory_space<smem>>
      %add3A_26 = arith.constant 2048 : i32
      %add3A_27 = arith.addi %get3A_20, %add3A_26 : i32
      %min3A_28 = arith.minsi %add3A_27, %get3A_25 : i32
      %swap3A_29 = arith.constant 1 : i32
      %swap3A_30 = arith.constant 1 : i32
      %swap3A_31 = arith.index_cast %swap3A_29 : i32 to index
      %swap3A_32 = arith.index_cast %swap3A_30 : i32 to index
      %swap3A_33 = memref.load %arg3[%swap3A_31, %swap3A_32] : memref<16x2xi32, #tpu.memory_space<smem>>
      memref.store %min3A_28, %arg3[%swap3A_31, %swap3A_32] : memref<16x2xi32, #tpu.memory_space<smem>>
      %get3A_34 = arith.constant 2 : i32
      %get3A_35 = arith.constant 0 : i32
      %get3A_36 = arith.index_cast %get3A_34 : i32 to index
      %get3A_37 = arith.index_cast %get3A_35 : i32 to index
      %get3A_38 = memref.load %arg3[%get3A_36, %get3A_37] : memref<16x2xi32, #tpu.memory_space<smem>>
      %get3A_39 = arith.constant 2 : i32
      %get3A_40 = arith.constant 1 : i32
      %get3A_41 = arith.index_cast %get3A_39 : i32 to index
      %get3A_42 = arith.index_cast %get3A_40 : i32 to index
      %get3A_43 = memref.load %arg3[%get3A_41, %get3A_42] : memref<16x2xi32, #tpu.memory_space<smem>>
      %add3A_44 = arith.constant 2048 : i32
      %add3A_45 = arith.addi %get3A_38, %add3A_44 : i32
      %min3A_46 = arith.minsi %add3A_45, %get3A_43 : i32
      %swap3A_47 = arith.constant 2 : i32
      %swap3A_48 = arith.constant 1 : i32
      %swap3A_49 = arith.index_cast %swap3A_47 : i32 to index
      %swap3A_50 = arith.index_cast %swap3A_48 : i32 to index
      %swap3A_51 = memref.load %arg3[%swap3A_49, %swap3A_50] : memref<16x2xi32, #tpu.memory_space<smem>>
      memref.store %min3A_46, %arg3[%swap3A_49, %swap3A_50] : memref<16x2xi32, #tpu.memory_space<smem>>
      %get3A_52 = arith.constant 3 : i32
      %get3A_53 = arith.constant 0 : i32
      %get3A_54 = arith.index_cast %get3A_52 : i32 to index
      %get3A_55 = arith.index_cast %get3A_53 : i32 to index
      %get3A_56 = memref.load %arg3[%get3A_54, %get3A_55] : memref<16x2xi32, #tpu.memory_space<smem>>
      %get3A_57 = arith.constant 3 : i32
      %get3A_58 = arith.constant 1 : i32
      %get3A_59 = arith.index_cast %get3A_57 : i32 to index
      %get3A_60 = arith.index_cast %get3A_58 : i32 to index
      %get3A_61 = memref.load %arg3[%get3A_59, %get3A_60] : memref<16x2xi32, #tpu.memory_space<smem>>
      %add3A_62 = arith.constant 2048 : i32
      %add3A_63 = arith.addi %get3A_56, %add3A_62 : i32
      %min3A_64 = arith.minsi %add3A_63, %get3A_61 : i32
      %swap3A_65 = arith.constant 3 : i32
      %swap3A_66 = arith.constant 1 : i32
      %swap3A_67 = arith.index_cast %swap3A_65 : i32 to index
      %swap3A_68 = arith.index_cast %swap3A_66 : i32 to index
      %swap3A_69 = memref.load %arg3[%swap3A_67, %swap3A_68] : memref<16x2xi32, #tpu.memory_space<smem>>
      memref.store %min3A_64, %arg3[%swap3A_67, %swap3A_68] : memref<16x2xi32, #tpu.memory_space<smem>>
      %get3A_70 = arith.constant 4 : i32
      %get3A_71 = arith.constant 0 : i32
      %get3A_72 = arith.index_cast %get3A_70 : i32 to index
      %get3A_73 = arith.index_cast %get3A_71 : i32 to index
      %get3A_74 = memref.load %arg3[%get3A_72, %get3A_73] : memref<16x2xi32, #tpu.memory_space<smem>>
      %get3A_75 = arith.constant 4 : i32
      %get3A_76 = arith.constant 1 : i32
      %get3A_77 = arith.index_cast %get3A_75 : i32 to index
      %get3A_78 = arith.index_cast %get3A_76 : i32 to index
      %get3A_79 = memref.load %arg3[%get3A_77, %get3A_78] : memref<16x2xi32, #tpu.memory_space<smem>>
      %add3A_80 = arith.constant 2048 : i32
      %add3A_81 = arith.addi %get3A_74, %add3A_80 : i32
      %min3A_82 = arith.minsi %add3A_81, %get3A_79 : i32
      %swap3A_83 = arith.constant 4 : i32
      %swap3A_84 = arith.constant 1 : i32
      %swap3A_85 = arith.index_cast %swap3A_83 : i32 to index
      %swap3A_86 = arith.index_cast %swap3A_84 : i32 to index
      %swap3A_87 = memref.load %arg3[%swap3A_85, %swap3A_86] : memref<16x2xi32, #tpu.memory_space<smem>>
      memref.store %min3A_82, %arg3[%swap3A_85, %swap3A_86] : memref<16x2xi32, #tpu.memory_space<smem>>
      %get3A_88 = arith.constant 5 : i32
      %get3A_89 = arith.constant 0 : i32
      %get3A_90 = arith.index_cast %get3A_88 : i32 to index
      %get3A_91 = arith.index_cast %get3A_89 : i32 to index
      %get3A_92 = memref.load %arg3[%get3A_90, %get3A_91] : memref<16x2xi32, #tpu.memory_space<smem>>
      %get3A_93 = arith.constant 5 : i32
      %get3A_94 = arith.constant 1 : i32
      %get3A_95 = arith.index_cast %get3A_93 : i32 to index
      %get3A_96 = arith.index_cast %get3A_94 : i32 to index
      %get3A_97 = memref.load %arg3[%get3A_95, %get3A_96] : memref<16x2xi32, #tpu.memory_space<smem>>
      %add3A_98 = arith.constant 2048 : i32
      %add3A_99 = arith.addi %get3A_92, %add3A_98 : i32
      %min3A_100 = arith.minsi %add3A_99, %get3A_97 : i32
      %swap3A_101 = arith.constant 5 : i32
      %swap3A_102 = arith.constant 1 : i32
      %swap3A_103 = arith.index_cast %swap3A_101 : i32 to index
      %swap3A_104 = arith.index_cast %swap3A_102 : i32 to index
      %swap3A_105 = memref.load %arg3[%swap3A_103, %swap3A_104] : memref<16x2xi32, #tpu.memory_space<smem>>
      memref.store %min3A_100, %arg3[%swap3A_103, %swap3A_104] : memref<16x2xi32, #tpu.memory_space<smem>>
      %get3A_106 = arith.constant 6 : i32
      %get3A_107 = arith.constant 0 : i32
      %get3A_108 = arith.index_cast %get3A_106 : i32 to index
      %get3A_109 = arith.index_cast %get3A_107 : i32 to index
      %get3A_110 = memref.load %arg3[%get3A_108, %get3A_109] : memref<16x2xi32, #tpu.memory_space<smem>>
      %get3A_111 = arith.constant 6 : i32
      %get3A_112 = arith.constant 1 : i32
      %get3A_113 = arith.index_cast %get3A_111 : i32 to index
      %get3A_114 = arith.index_cast %get3A_112 : i32 to index
      %get3A_115 = memref.load %arg3[%get3A_113, %get3A_114] : memref<16x2xi32, #tpu.memory_space<smem>>
      %add3A_116 = arith.constant 2048 : i32
      %add3A_117 = arith.addi %get3A_110, %add3A_116 : i32
      %min3A_118 = arith.minsi %add3A_117, %get3A_115 : i32
      %swap3A_119 = arith.constant 6 : i32
      %swap3A_120 = arith.constant 1 : i32
      %swap3A_121 = arith.index_cast %swap3A_119 : i32 to index
      %swap3A_122 = arith.index_cast %swap3A_120 : i32 to index
      %swap3A_123 = memref.load %arg3[%swap3A_121, %swap3A_122] : memref<16x2xi32, #tpu.memory_space<smem>>
      memref.store %min3A_118, %arg3[%swap3A_121, %swap3A_122] : memref<16x2xi32, #tpu.memory_space<smem>>
      %get3A_124 = arith.constant 7 : i32
      %get3A_125 = arith.constant 0 : i32
      %get3A_126 = arith.index_cast %get3A_124 : i32 to index
      %get3A_127 = arith.index_cast %get3A_125 : i32 to index
      %get3A_128 = memref.load %arg3[%get3A_126, %get3A_127] : memref<16x2xi32, #tpu.memory_space<smem>>
      %get3A_129 = arith.constant 7 : i32
      %get3A_130 = arith.constant 1 : i32
      %get3A_131 = arith.index_cast %get3A_129 : i32 to index
      %get3A_132 = arith.index_cast %get3A_130 : i32 to index
      %get3A_133 = memref.load %arg3[%get3A_131, %get3A_132] : memref<16x2xi32, #tpu.memory_space<smem>>
      %add3A_134 = arith.constant 2048 : i32
      %add3A_135 = arith.addi %get3A_128, %add3A_134 : i32
      %min3A_136 = arith.minsi %add3A_135, %get3A_133 : i32
      %swap3A_137 = arith.constant 7 : i32
      %swap3A_138 = arith.constant 1 : i32
      %swap3A_139 = arith.index_cast %swap3A_137 : i32 to index
      %swap3A_140 = arith.index_cast %swap3A_138 : i32 to index
      %swap3A_141 = memref.load %arg3[%swap3A_139, %swap3A_140] : memref<16x2xi32, #tpu.memory_space<smem>>
      memref.store %min3A_136, %arg3[%swap3A_139, %swap3A_140] : memref<16x2xi32, #tpu.memory_space<smem>>
      %get3A_142 = arith.constant 8 : i32
      %get3A_143 = arith.constant 0 : i32
      %get3A_144 = arith.index_cast %get3A_142 : i32 to index
      %get3A_145 = arith.index_cast %get3A_143 : i32 to index
      %get3A_146 = memref.load %arg3[%get3A_144, %get3A_145] : memref<16x2xi32, #tpu.memory_space<smem>>
      %get3A_147 = arith.constant 8 : i32
      %get3A_148 = arith.constant 1 : i32
      %get3A_149 = arith.index_cast %get3A_147 : i32 to index
      %get3A_150 = arith.index_cast %get3A_148 : i32 to index
      %get3A_151 = memref.load %arg3[%get3A_149, %get3A_150] : memref<16x2xi32, #tpu.memory_space<smem>>
      %add3A_152 = arith.constant 2048 : i32
      %add3A_153 = arith.addi %get3A_146, %add3A_152 : i32
      %min3A_154 = arith.minsi %add3A_153, %get3A_151 : i32
      %swap3A_155 = arith.constant 8 : i32
      %swap3A_156 = arith.constant 1 : i32
      %swap3A_157 = arith.index_cast %swap3A_155 : i32 to index
      %swap3A_158 = arith.index_cast %swap3A_156 : i32 to index
      %swap3A_159 = memref.load %arg3[%swap3A_157, %swap3A_158] : memref<16x2xi32, #tpu.memory_space<smem>>
      memref.store %min3A_154, %arg3[%swap3A_157, %swap3A_158] : memref<16x2xi32, #tpu.memory_space<smem>>
      %get3A_160 = arith.constant 9 : i32
      %get3A_161 = arith.constant 0 : i32
      %get3A_162 = arith.index_cast %get3A_160 : i32 to index
      %get3A_163 = arith.index_cast %get3A_161 : i32 to index
      %get3A_164 = memref.load %arg3[%get3A_162, %get3A_163] : memref<16x2xi32, #tpu.memory_space<smem>>
      %get3A_165 = arith.constant 9 : i32
      %get3A_166 = arith.constant 1 : i32
      %get3A_167 = arith.index_cast %get3A_165 : i32 to index
      %get3A_168 = arith.index_cast %get3A_166 : i32 to index
      %get3A_169 = memref.load %arg3[%get3A_167, %get3A_168] : memref<16x2xi32, #tpu.memory_space<smem>>
      %add3A_170 = arith.constant 2048 : i32
      %add3A_171 = arith.addi %get3A_164, %add3A_170 : i32
      %min3A_172 = arith.minsi %add3A_171, %get3A_169 : i32
      %swap3A_173 = arith.constant 9 : i32
      %swap3A_174 = arith.constant 1 : i32
      %swap3A_175 = arith.index_cast %swap3A_173 : i32 to index
      %swap3A_176 = arith.index_cast %swap3A_174 : i32 to index
      %swap3A_177 = memref.load %arg3[%swap3A_175, %swap3A_176] : memref<16x2xi32, #tpu.memory_space<smem>>
      memref.store %min3A_172, %arg3[%swap3A_175, %swap3A_176] : memref<16x2xi32, #tpu.memory_space<smem>>
      %get3A_178 = arith.constant 10 : i32
      %get3A_179 = arith.constant 0 : i32
      %get3A_180 = arith.index_cast %get3A_178 : i32 to index
      %get3A_181 = arith.index_cast %get3A_179 : i32 to index
      %get3A_182 = memref.load %arg3[%get3A_180, %get3A_181] : memref<16x2xi32, #tpu.memory_space<smem>>
      %get3A_183 = arith.constant 10 : i32
      %get3A_184 = arith.constant 1 : i32
      %get3A_185 = arith.index_cast %get3A_183 : i32 to index
      %get3A_186 = arith.index_cast %get3A_184 : i32 to index
      %get3A_187 = memref.load %arg3[%get3A_185, %get3A_186] : memref<16x2xi32, #tpu.memory_space<smem>>
      %add3A_188 = arith.constant 2048 : i32
      %add3A_189 = arith.addi %get3A_182, %add3A_188 : i32
      %min3A_190 = arith.minsi %add3A_189, %get3A_187 : i32
      %swap3A_191 = arith.constant 10 : i32
      %swap3A_192 = arith.constant 1 : i32
      %swap3A_193 = arith.index_cast %swap3A_191 : i32 to index
      %swap3A_194 = arith.index_cast %swap3A_192 : i32 to index
      %swap3A_195 = memref.load %arg3[%swap3A_193, %swap3A_194] : memref<16x2xi32, #tpu.memory_space<smem>>
      memref.store %min3A_190, %arg3[%swap3A_193, %swap3A_194] : memref<16x2xi32, #tpu.memory_space<smem>>
      %get3A_196 = arith.constant 11 : i32
      %get3A_197 = arith.constant 0 : i32
      %get3A_198 = arith.index_cast %get3A_196 : i32 to index
      %get3A_199 = arith.index_cast %get3A_197 : i32 to index
      %get3A_200 = memref.load %arg3[%get3A_198, %get3A_199] : memref<16x2xi32, #tpu.memory_space<smem>>
      %get3A_201 = arith.constant 11 : i32
      %get3A_202 = arith.constant 1 : i32
      %get3A_203 = arith.index_cast %get3A_201 : i32 to index
      %get3A_204 = arith.index_cast %get3A_202 : i32 to index
      %get3A_205 = memref.load %arg3[%get3A_203, %get3A_204] : memref<16x2xi32, #tpu.memory_space<smem>>
      %add3A_206 = arith.constant 2048 : i32
      %add3A_207 = arith.addi %get3A_200, %add3A_206 : i32
      %min3A_208 = arith.minsi %add3A_207, %get3A_205 : i32
      %swap3A_209 = arith.constant 11 : i32
      %swap3A_210 = arith.constant 1 : i32
      %swap3A_211 = arith.index_cast %swap3A_209 : i32 to index
      %swap3A_212 = arith.index_cast %swap3A_210 : i32 to index
      %swap3A_213 = memref.load %arg3[%swap3A_211, %swap3A_212] : memref<16x2xi32, #tpu.memory_space<smem>>
      memref.store %min3A_208, %arg3[%swap3A_211, %swap3A_212] : memref<16x2xi32, #tpu.memory_space<smem>>
      %get3A_214 = arith.constant 12 : i32
      %get3A_215 = arith.constant 0 : i32
      %get3A_216 = arith.index_cast %get3A_214 : i32 to index
      %get3A_217 = arith.index_cast %get3A_215 : i32 to index
      %get3A_218 = memref.load %arg3[%get3A_216, %get3A_217] : memref<16x2xi32, #tpu.memory_space<smem>>
      %get3A_219 = arith.constant 12 : i32
      %get3A_220 = arith.constant 1 : i32
      %get3A_221 = arith.index_cast %get3A_219 : i32 to index
      %get3A_222 = arith.index_cast %get3A_220 : i32 to index
      %get3A_223 = memref.load %arg3[%get3A_221, %get3A_222] : memref<16x2xi32, #tpu.memory_space<smem>>
      %add3A_224 = arith.constant 2048 : i32
      %add3A_225 = arith.addi %get3A_218, %add3A_224 : i32
      %min3A_226 = arith.minsi %add3A_225, %get3A_223 : i32
      %swap3A_227 = arith.constant 12 : i32
      %swap3A_228 = arith.constant 1 : i32
      %swap3A_229 = arith.index_cast %swap3A_227 : i32 to index
      %swap3A_230 = arith.index_cast %swap3A_228 : i32 to index
      %swap3A_231 = memref.load %arg3[%swap3A_229, %swap3A_230] : memref<16x2xi32, #tpu.memory_space<smem>>
      memref.store %min3A_226, %arg3[%swap3A_229, %swap3A_230] : memref<16x2xi32, #tpu.memory_space<smem>>
      %get3A_232 = arith.constant 13 : i32
      %get3A_233 = arith.constant 0 : i32
      %get3A_234 = arith.index_cast %get3A_232 : i32 to index
      %get3A_235 = arith.index_cast %get3A_233 : i32 to index
      %get3A_236 = memref.load %arg3[%get3A_234, %get3A_235] : memref<16x2xi32, #tpu.memory_space<smem>>
      %get3A_237 = arith.constant 13 : i32
      %get3A_238 = arith.constant 1 : i32
      %get3A_239 = arith.index_cast %get3A_237 : i32 to index
      %get3A_240 = arith.index_cast %get3A_238 : i32 to index
      %get3A_241 = memref.load %arg3[%get3A_239, %get3A_240] : memref<16x2xi32, #tpu.memory_space<smem>>
      %add3A_242 = arith.constant 2048 : i32
      %add3A_243 = arith.addi %get3A_236, %add3A_242 : i32
      %min3A_244 = arith.minsi %add3A_243, %get3A_241 : i32
      %swap3A_245 = arith.constant 13 : i32
      %swap3A_246 = arith.constant 1 : i32
      %swap3A_247 = arith.index_cast %swap3A_245 : i32 to index
      %swap3A_248 = arith.index_cast %swap3A_246 : i32 to index
      %swap3A_249 = memref.load %arg3[%swap3A_247, %swap3A_248] : memref<16x2xi32, #tpu.memory_space<smem>>
      memref.store %min3A_244, %arg3[%swap3A_247, %swap3A_248] : memref<16x2xi32, #tpu.memory_space<smem>>
      %get3A_250 = arith.constant 14 : i32
      %get3A_251 = arith.constant 0 : i32
      %get3A_252 = arith.index_cast %get3A_250 : i32 to index
      %get3A_253 = arith.index_cast %get3A_251 : i32 to index
      %get3A_254 = memref.load %arg3[%get3A_252, %get3A_253] : memref<16x2xi32, #tpu.memory_space<smem>>
      %get3A_255 = arith.constant 14 : i32
      %get3A_256 = arith.constant 1 : i32
      %get3A_257 = arith.index_cast %get3A_255 : i32 to index
      %get3A_258 = arith.index_cast %get3A_256 : i32 to index
      %get3A_259 = memref.load %arg3[%get3A_257, %get3A_258] : memref<16x2xi32, #tpu.memory_space<smem>>
      %add3A_260 = arith.constant 2048 : i32
      %add3A_261 = arith.addi %get3A_254, %add3A_260 : i32
      %min3A_262 = arith.minsi %add3A_261, %get3A_259 : i32
      %swap3A_263 = arith.constant 14 : i32
      %swap3A_264 = arith.constant 1 : i32
      %swap3A_265 = arith.index_cast %swap3A_263 : i32 to index
      %swap3A_266 = arith.index_cast %swap3A_264 : i32 to index
      %swap3A_267 = memref.load %arg3[%swap3A_265, %swap3A_266] : memref<16x2xi32, #tpu.memory_space<smem>>
      memref.store %min3A_262, %arg3[%swap3A_265, %swap3A_266] : memref<16x2xi32, #tpu.memory_space<smem>>
      %get3A_268 = arith.constant 15 : i32
      %get3A_269 = arith.constant 0 : i32
      %get3A_270 = arith.index_cast %get3A_268 : i32 to index
      %get3A_271 = arith.index_cast %get3A_269 : i32 to index
      %get3A_272 = memref.load %arg3[%get3A_270, %get3A_271] : memref<16x2xi32, #tpu.memory_space<smem>>
      %get3A_273 = arith.constant 15 : i32
      %get3A_274 = arith.constant 1 : i32
      %get3A_275 = arith.index_cast %get3A_273 : i32 to index
      %get3A_276 = arith.index_cast %get3A_274 : i32 to index
      %get3A_277 = memref.load %arg3[%get3A_275, %get3A_276] : memref<16x2xi32, #tpu.memory_space<smem>>
      %add3A_278 = arith.constant 2048 : i32
      %add3A_279 = arith.addi %get3A_272, %add3A_278 : i32
      %min3A_280 = arith.minsi %add3A_279, %get3A_277 : i32
      %swap3A_281 = arith.constant 15 : i32
      %swap3A_282 = arith.constant 1 : i32
      %swap3A_283 = arith.index_cast %swap3A_281 : i32 to index
      %swap3A_284 = arith.index_cast %swap3A_282 : i32 to index
      %swap3A_285 = memref.load %arg3[%swap3A_283, %swap3A_284] : memref<16x2xi32, #tpu.memory_space<smem>>
      memref.store %min3A_280, %arg3[%swap3A_283, %swap3A_284] : memref<16x2xi32, #tpu.memory_space<smem>>
      "tpu.region"() ({
        %run_scoped3A = tpu.sem_alloc : memref<!tpu.dma_semaphore, #tpu.memory_space<semaphore_mem>>
        tpu.enqueue_dma source(%arg3 : memref<16x2xi32, #tpu.memory_space<smem>>) target(%arg2 : memref<16x2xi32, #tpu.memory_space<hbm>>) target_semaphore(%run_scoped3A : memref<!tpu.dma_semaphore, #tpu.memory_space<semaphore_mem>>)
        tpu.wait_dma2 semaphore(%run_scoped3A : memref<!tpu.dma_semaphore, #tpu.memory_space<semaphore_mem>>) src(%arg3 : memref<16x2xi32, #tpu.memory_space<smem>>) dst(%arg2 : memref<16x2xi32, #tpu.memory_space<hbm>>)
        tpu.yield
      }) : () -> ()
    } else {
    }
    return
  }
}

module attributes {stable_mosaic.version = 14 : i64} {
  func.func @_copy_head_body(%arg0: i32, %arg1: memref<2048x1024xf32, #tpu.memory_space<vmem>>, %arg2: memref<2048x1024xf32, #tpu.memory_space<vmem>>) attributes {dimension_semantics = [#tpu.dimension_semantics<arbitrary>], iteration_bounds = array<i64: 3>, scalar_prefetch = 0 : i64, scratch_operands = 0 : i64, tpu.core_type = #tpu.core_type<tc>, window_params = [{transform_indices = @transform_0, window_bounds = array<i64: 2048, 1024>}, {transform_indices = @transform_1, window_bounds = array<i64: 2048, 1024>}]} {
    %get3A = arith.constant 0 : index
    %get3A_0 = arith.constant 0 : index
    %get3A_1 = vector.load %arg1[%get3A, %get3A_0] : memref<2048x1024xf32, #tpu.memory_space<vmem>>, vector<2048x1024xf32>
    %swap3A = arith.constant 0 : index
    %swap3A_2 = arith.constant 0 : index
    %swap3A_3 = vector.load %arg2[%swap3A, %swap3A_2] : memref<2048x1024xf32, #tpu.memory_space<vmem>>, vector<2048x1024xf32>
    tpu.vector_store %arg2[%swap3A, %swap3A_2], %get3A_1 {strides = array<i32>} : memref<2048x1024xf32, #tpu.memory_space<vmem>>, vector<2048x1024xf32>,
    return
  }
  func.func @transform_0(%arg0: i32) -> (i32, i32) {
    %c0_i32 = arith.constant 0 : i32
    %c0_i32_0 = arith.constant 0 : i32
    return %arg0, %c0_i32 : i32, i32
  }
  func.func @transform_1(%arg0: i32) -> (i32, i32) {
    %c0_i32 = arith.constant 0 : i32
    %c0_i32_0 = arith.constant 0 : i32
    return %arg0, %c0_i32 : i32, i32
  }
}

module attributes {stable_mosaic.version = 14 : i64} {
  func.func @_copy_tail_body(%arg0: i32, %arg1: memref<32768x1024xf32, #tpu.memory_space<any>>, %arg2: memref<2048x1024xf32, #tpu.memory_space<vmem>>, %arg3: memref<16x2xi32, #tpu.memory_space<vmem>>, %arg4: memref<2048x1024xf32, #tpu.memory_space<vmem>>, %arg5: memref<16x2xi32, #tpu.memory_space<vmem>>) attributes {dimension_semantics = [#tpu.dimension_semantics<arbitrary>], iteration_bounds = array<i64: 13>, scalar_prefetch = 0 : i64, scratch_operands = 0 : i64, tpu.core_type = #tpu.core_type<tc>, window_params = [{}, {transform_indices = @transform_1, window_bounds = array<i64: 2048, 1024>}, {pipeline_mode = #tpu.pipeline_mode<synchronous>, transform_indices = @transform_2, window_bounds = array<i64: 16, 2>}, {transform_indices = @transform_3, window_bounds = array<i64: 2048, 1024>}, {pipeline_mode = #tpu.pipeline_mode<synchronous>, transform_indices = @transform_4, window_bounds = array<i64: 16, 2>}]} {
    %get3A = arith.constant 0 : index
    %get3A_0 = arith.constant 0 : index
    %get3A_1 = vector.load %arg2[%get3A, %get3A_0] : memref<2048x1024xf32, #tpu.memory_space<vmem>>, vector<2048x1024xf32>
    %swap3A = arith.constant 0 : index
    %swap3A_2 = arith.constant 0 : index
    %swap3A_3 = vector.load %arg4[%swap3A, %swap3A_2] : memref<2048x1024xf32, #tpu.memory_space<vmem>>, vector<2048x1024xf32>
    tpu.vector_store %arg4[%swap3A, %swap3A_2], %get3A_1 {strides = array<i32>} : memref<2048x1024xf32, #tpu.memory_space<vmem>>, vector<2048x1024xf32>,
    %eq3A = arith.constant 12 : i32
    %eq3A_4 = arith.cmpi eq, %arg0, %eq3A : i32
    %convert_element_type3A = arith.extui %eq3A_4 : i1 to i32
    %cond3A = arith.constant 0 : i32
    %cond3A_5 = arith.cmpi ne, %convert_element_type3A, %cond3A : i32
    scf.if %cond3A_5 {
      %get3A_6 = arith.constant 0 : index
      %get3A_7 = arith.constant 0 : index
      %get3A_8 = vector.load %arg3[%get3A_6, %get3A_7] : memref<16x2xi32, #tpu.memory_space<vmem>>, vector<16x2xi32>
      %swap3A_9 = arith.constant 0 : index
      %swap3A_10 = arith.constant 0 : index
      %swap3A_11 = vector.load %arg5[%swap3A_9, %swap3A_10] : memref<16x2xi32, #tpu.memory_space<vmem>>, vector<16x2xi32>
      tpu.vector_store %arg5[%swap3A_9, %swap3A_10], %get3A_8 {strides = array<i32>} : memref<16x2xi32, #tpu.memory_space<vmem>>, vector<16x2xi32>,
    } else {
    }
    return
  }
  func.func @transform_1(%arg0: i32) -> (i32, i32) {
    %add3A = arith.constant 3 : i32
    %add3A_0 = arith.addi %arg0, %add3A : i32
    %c0_i32 = arith.constant 0 : i32
    %c0_i32_1 = arith.constant 0 : i32
    return %add3A_0, %c0_i32 : i32, i32
  }
  func.func @transform_2(%arg0: i32) -> (i32, i32) {
    %c0_i32 = arith.constant 0 : i32
    %c0_i32_0 = arith.constant 0 : i32
    %c0_i32_1 = arith.constant 0 : i32
    return %c0_i32, %c0_i32_0 : i32, i32
  }
  func.func @transform_3(%arg0: i32) -> (i32, i32) {
    %add3A = arith.constant 3 : i32
    %add3A_0 = arith.addi %arg0, %add3A : i32
    %c0_i32 = arith.constant 0 : i32
    %c0_i32_1 = arith.constant 0 : i32
    return %add3A_0, %c0_i32 : i32, i32
  }
  func.func @transform_4(%arg0: i32) -> (i32, i32) {
    %c0_i32 = arith.constant 0 : i32
    %c0_i32_0 = arith.constant 0 : i32
    %c0_i32_1 = arith.constant 0 : i32
    return %c0_i32, %c0_i32_0 : i32, i32
  }
}

</mosaic_0001>

<sc_bundles>
// kernel: kernel.5.cloned.1.call-start
scs
__scs_entry_jumppad:
0x0: {  	(pc) =	sbr.rel $0x88, $3  }
0x1: {  	(tag) =	ssettag $0x0;
	lr =	simm.s32 $0x1  }
0x2: {  	[smem:$0x3F9F] =	sst lr;
	_ =	strace $0xD0000000  }
0x3: {  	_ = 	snop  }
0x4: {  	_ = 	snop  }
0x5: {  	_ = 	snop  }
0x6: {  	_ = 	snop  }
0x7: {  	_ = 	snop  }
__scs_overlays_trampoline_lowered:
0x8: {  	[smem:$0x3FAE] =	sst s0  }
0x9: {  	[smem:$0x3FAF] =	sst s1  }
0xa: {  	[smem:$0x3FB0] =	sst s2  }
0xb: {  	[smem:$0x3FB1] =	sst s3  }
0xc: {  	[smem:$0x3FB2] =	sst s4  }
0xd: {  	[smem:$0x3FB3] =	sst s5  }
0xe: {  	[smem:$0x3FB4] =	sst s6  }
0xf: {  	[smem:$0x3FB5] =	sst s7  }
0x10: {  	[smem:$0x3FB6] =	sst s8  }
0x11: {  	[smem:$0x3FB7] =	sst s9;
	s0 =	simm.s32 @!p0 $0x0  }
0x12: {  	s1 =	sld [smem:$0x3F9D];
	s0 =	simm.s32 @p0 $0x1  }
0x13: {  	[smem:$0x3FB8] =	sst s0;
	s0 =	simm.s32 @!p1 $0x0  }
0x14: {  	s2 =	sld [smem:$0x3F9C];
	s0 =	simm.s32 @p1 $0x1  }
0x15: {  	[smem:$0x3FB9] =	sst s0;
	s0 =	simm.s32 @!p2 $0x0  }
0x16: {  	s3 =	sld [smem:$0x3FDB];
	s0 =	simm.s32 @p2 $0x1  }
0x17: {  	s4 =	simm.s32 $0x1BF5;
	[smem:$0x3FBB] =	sst s0  }
0x18: {  	s0 =	sld [smem:$0x3F9E];
	_ =	swait.ge [sflag:s4], $0x0  }
0x19: {  	s7 =	sld [smem:$0x3F9F]  }
0x1a: {  	s8 =	sadd.s32 $0xFFFFE003, lr  }
0x1b: {  	s9 =	sadd.s32 $0xFFFFFEF7, lr;
	s5 =	simm.s32 $0xFFFFFFFF;
	p2 =	slt.u32 s8, $0xFFFFF086  }
0x1c: {  	p1 =	slt.u32 s9, $0xF7A;
	s5 =	simm.s32 @!p2 $0x0  }
0x1d: {  	s5 =	simm.s32 @p1 $0x1;
	p0 =	seq.s32 s7, s2  }
0x1e: {  	s7 =	smul.u32 @!p0 $0xF7A, s2;
	p2 =	seq.s32 @!p0 s5, $0x0  }
0x1f: {  	s9 =	smul.u32 $0xF7A, s1;
	s8 =	simm.s32 @!p0 $0x1BF5;
	p2 =	por !p2, p0  }
0x20: {  	[sflag:s8] =	ssyncset.s32 @!p0 $0xFFFFF086;
	s6 =	sadd.s32 @!p0 s3, s7;
	s7 =	simm.s32 @!p0 $0x108  }
0x21: {  	s3 =	sadd.s32 s3, s9;
	s6 =	sadd.s32 @!p0 $0x88, s6;
	s7 =	simm.s32 @p2 $0x1082  }
0x22: {  	[simem:s7], [sflag:s8] =	dma.local @!p0 [hbm:s6], $0xF7A  }
0x23: {  	s9 =	sor.u32 $0xD0000000, s2;
	s6 =	simm.s32 $0x108;
	_ =	swait.ge @!p0 [sflag:s8], $0x0  }
0x24: {  	s3 =	sadd.s32 $0x88, s3;
	s6 =	simm.s32 @!p1 $0x1082;
	[sflag:s4] =	ssyncset.s32 $0xFFFFF086  }
0x25: {  	[simem:s6], [sflag:s4] =	dma.local [hbm:s3], $0xF7A  }
0x26: {  	[smem:$0x3F9F] =	sst s1;
	(tag) =	ssettag s2;
	_ =	strace s9  }
0x27: {  	s1 =	sld [smem:$0x3FAF]  }
0x28: {  	s2 =	sld [smem:$0x3FB0]  }
0x29: {  	s4 =	sld [smem:$0x3FB2]  }
0x2a: {  	p0 =	seq.s32 s5, $0x0;
	s5 =	sld [smem:$0x3FB3]  }
0x2b: {  	s6 =	sld [smem:$0x3FB4]  }
0x2c: {  	s7 =	sld [smem:$0x3FB5]  }
0x2d: {  	s3 =	simm.s32 $0x108;
	s8 =	sld [smem:$0x3FB6]  }
0x2e: {  	s3 =	simm.s32 @!p0 $0x1082;
	s9 =	sld [smem:$0x3FB7]  }
0x2f: {  	lr =	sadd.s32 s0, s3;
	s0 =	sld [smem:$0x3FAE]  }
0x30: {  	s3 =	sld [smem:$0x3FB1]  }
0x31: {  	[smem:$0x3FBA] =	sst s10  }
0x32: {  	s10 =	sld [smem:$0x3FB8];
	_ =	sdelay $0x3  }
0x33: {  	p0 =	seq.s32 s10, $0x1;
	s10 =	sld [smem:$0x3FBA];
	_ =	sdelay $0x3  }
0x34: {  	[smem:$0x3FBA] =	sst s10  }
0x35: {  	s10 =	sld [smem:$0x3FB9];
	_ =	sdelay $0x3  }
0x36: {  	p1 =	seq.s32 s10, $0x1;
	s10 =	sld [smem:$0x3FBA];
	_ =	sdelay $0x3  }
0x37: {  	[smem:$0x3FBA] =	sst s10  }
0x38: {  	s10 =	sld [smem:$0x3FBB]  }
0x39: {  	_ = 	snop;
	(pc) =	sbr.ind lr, $3  }
0x3a: {  	_ = 	snop  }
0x3b: {  	_ = 	snop  }
0x3c: {  	p2 =	seq.s32 s10, $0x1;
	s10 =	sld [smem:$0x3FBA]  }
0x3d: {  	_ =	shalt  }
0x3e: {  	_ =	shalt  }
0x3f: {  	_ =	shalt  }
0x40: {  	_ =	shalt  }
0x41: {  	_ =	shalt  }
0x42: {  	_ =	shalt  }
0x43: {  	_ =	shalt  }
0x44: {  	_ =	shalt  }
0x45: {  	_ =	shalt  }
0x46: {  	_ =	shalt  }
0x47: {  	_ =	shalt  }
0x48: {  	_ =	shalt  }
0x49: {  	_ =	shalt  }
0x4a: {  	_ =	shalt  }
0x4b: {  	_ =	shalt  }
0x4c: {  	_ =	shalt  }
0x4d: {  	_ =	shalt  }
0x4e: {  	_ =	shalt  }
0x4f: {  	_ =	shalt  }
0x50: {  	_ =	shalt  }
0x51: {  	_ =	shalt  }
0x52: {  	_ =	shalt  }
0x53: {  	_ =	shalt  }
0x54: {  	_ =	shalt  }
0x55: {  	_ =	shalt  }
0x56: {  	_ =	shalt  }
0x57: {  	_ =	shalt  }
0x58: {  	_ =	shalt  }
0x59: {  	_ =	shalt  }
0x5a: {  	_ =	shalt  }
0x5b: {  	_ =	shalt  }
0x5c: {  	_ =	shalt  }
0x5d: {  	_ =	shalt  }
0x5e: {  	_ =	shalt  }
0x5f: {  	_ =	shalt  }
0x60: {  	_ =	shalt  }
0x61: {  	_ =	shalt  }
0x62: {  	_ =	shalt  }
0x63: {  	_ =	shalt  }
0x64: {  	_ =	shalt  }
0x65: {  	_ =	shalt  }
0x66: {  	_ =	shalt  }
0x67: {  	_ =	shalt  }
0x68: {  	_ =	shalt  }
0x69: {  	_ =	shalt  }
0x6a: {  	_ =	shalt  }
0x6b: {  	_ =	shalt  }
0x6c: {  	_ =	shalt  }
0x6d: {  	_ =	shalt  }
0x6e: {  	_ =	shalt  }
0x6f: {  	_ =	shalt  }
0x70: {  	_ =	shalt  }
0x71: {  	_ =	shalt  }
0x72: {  	_ =	shalt  }
0x73: {  	_ =	shalt  }
0x74: {  	_ =	shalt  }
0x75: {  	_ =	shalt  }
0x76: {  	_ =	shalt  }
0x77: {  	_ =	shalt  }
0x78: {  	_ =	shalt  }
0x79: {  	_ =	shalt  }
0x7a: {  	_ =	shalt  }
0x7b: {  	_ =	shalt  }
0x7c: {  	_ =	shalt  }
0x7d: {  	_ =	shalt  }
0x7e: {  	_ =	shalt  }
0x7f: {  	_ =	shalt  }
0x80: {  	_ =	shalt  }
0x81: {  	_ =	shalt  }
0x82: {  	_ =	shalt  }
0x83: {  	_ =	shalt  }
0x84: {  	_ =	shalt  }
0x85: {  	_ =	shalt  }
0x86: {  	_ =	shalt  }
0x87: {  	_ =	shalt  }
.Lfunc_end0:
.L_simem_size_0:
called_computation_lowered:
.L_overlay_start_0:
0x88: {  	s0 =	sld [smem:$0x3FD9]  }
0x89: {  	s1 =	sld [smem:$0x3FFE];
	_ =	sdelay $0x3  }
0x8a: {  	s0 =	sadd.s32 s1, s0  }
0x8b: {  	[smem:$0x3FC6] =	sst s0  }
0x8c: {  	_ = 	snop  }
0x8d: {  	(tm) =	ssettm $0x1  }
0x8e: {  	s10 =	sld [smem:$0x3FFB];
	_ =	sdelay $0x3  }
0x8f: {  	_ =	strace s10  }
0x90: {  	s0 =	sld [smem:$0x3FFC];
	_ =	sdelay $0x3  }
0x91: {  	_ =	strace s0  }
0x92: {  	s0 =	sld [smem:$0x3FFD];
	_ =	sdelay $0x3  }
0x93: {  	_ =	strace s0  }
0x94: {  	s11 =	simm.s32 $0x1B8B;
	_ =	strace $0x8FFFFFFF  }
0x95: {  	_ =	swait.ge [sflag:s11], $0x1  }
0x96: {  	s12 =	sld [smem:$0x3FFE]  }
0x97: {  	[sflag:s11] =	ssyncset.done $0x0  }
0x98: {  	s13 =	simm.s32 $0x1B8E;
	[sflag:s11] =	ssyncadd.s32 $0xFFFFFFFF  }
0x99: {  	s14 =	simm.s32 $0x9;
	[smem:$0x3FD2] =	sst s13  }
0x9a: {  	s2 =	simm.s32 $0x10;
	_ =	strace $0x80000046;
	s3 =	sadd.s32 $0xA00, s12  }
0x9b: {  	[smem:s2], [sflag:s14] =	dma.local [hbm:s3], $0x100  }
0x9c: {  	_ =	swait.ge [sflag:s14], $0x100  }
0x9d: {  	[sflag:s14] =	ssyncset.done $0x0  }
0x9e: {  	[sflag:s14] =	ssyncadd.s32 $0xFFFFFF00  }
0x9f: {  	s15 =	sld [smem:$0x10]  }
0xa0: {  	s4 =	sld [smem:$0x11]  }
0xa1: {  	s16 =	sld [smem:$0x90]  }
0xa2: {  	s5 =	sld [smem:$0x110]  }
0xa3: {  	s6 =	sld [smem:$0x111]  }
0xa4: {  	s7 =	sld [smem:$0x190]  }
0xa5: {  	s8 =	sld [smem:$0x191]  }
0xa6: {  	s9 =	sld [smem:$0x210]  }
0xa7: {  	s10 =	sld [smem:$0x211]  }
0xa8: {  	s11 =	sld [smem:$0x290]  }
0xa9: {  	s17 =	sld [smem:$0x310]  }
0xaa: {  	s18 =	sld [smem:$0x390]  }
0xab: {  	s19 =	sld [smem:$0x410]  }
0xac: {  	s20 =	sld [smem:$0x490];
	s3 =	sadd.s32 $0x800, s15  }
0xad: {  	s21 =	sld [smem:$0x510];
	p0 =	slt.s32 s3, s4  }
0xae: {  	s22 =	sld [smem:$0x590];
	s4 =	smov.u32 @p0 s3  }
0xaf: {  	[smem:$0x11] =	sst s4  }
0xb0: {  	s4 =	sld [smem:$0x91]  }
0xb1: {  	s23 =	sld [smem:$0x610]  }
0xb2: {  	s24 =	sld [smem:$0x690]  }
0xb3: {  	s25 =	sld [smem:$0x710];
	s3 =	sadd.s32 $0x800, s16  }
0xb4: {  	s26 =	sld [smem:$0x790];
	s5 =	sadd.s32 $0x800, s5;
	p0 =	slt.s32 s3, s4  }
0xb5: {  	s4 =	smov.u32 @p0 s3;
	p0 =	slt.s32 s5, s6;
	s3 =	sld [smem:$0x291]  }
0xb6: {  	[smem:$0x91] =	sst s4;
	s6 =	smov.u32 @p0 s5  }
0xb7: {  	s4 =	sadd.s32 $0x800, s7;
	[smem:$0x111] =	sst s6  }
0xb8: {  	s5 =	sadd.s32 $0x800, s9;
	p0 =	slt.s32 s4, s8;
	s6 =	sld [smem:$0x391]  }
0xb9: {  	s8 =	smov.u32 @p0 s4;
	p0 =	slt.s32 s5, s10;
	s4 =	sadd.s32 $0x800, s11  }
0xba: {  	[smem:$0x191] =	sst s8;
	s10 =	smov.u32 @p0 s5;
	p0 =	slt.s32 s4, s3  }
0xbb: {  	s3 =	smov.u32 @p0 s4;
	s4 =	sld [smem:$0x311]  }
0xbc: {  	s8 =	sld [smem:$0x411]  }
0xbd: {  	[smem:$0x211] =	sst s10  }
0xbe: {  	[smem:$0x291] =	sst s3;
	s3 =	sadd.s32 $0x800, s17  }
0xbf: {  	s5 =	sadd.s32 $0x800, s18;
	s10 =	sld [smem:$0x491];
	p0 =	slt.s32 s3, s4  }
0xc0: {  	s4 =	smov.u32 @p0 s3;
	p0 =	slt.s32 s5, s6;
	s3 =	sld [smem:$0x511]  }
0xc1: {  	[smem:$0x311] =	sst s4;
	s6 =	smov.u32 @p0 s5  }
0xc2: {  	s4 =	sadd.s32 $0x800, s19;
	[smem:$0x391] =	sst s6  }
0xc3: {  	s5 =	sadd.s32 $0x800, s20;
	p0 =	slt.s32 s4, s8;
	s6 =	sld [smem:$0x611]  }
0xc4: {  	s8 =	smov.u32 @p0 s4;
	p0 =	slt.s32 s5, s10;
	s4 =	sadd.s32 $0x800, s21  }
0xc5: {  	[smem:$0x411] =	sst s8;
	s10 =	smov.u32 @p0 s5;
	p0 =	slt.s32 s4, s3  }
0xc6: {  	s3 =	smov.u32 @p0 s4;
	s4 =	sld [smem:$0x591]  }
0xc7: {  	s8 =	sld [smem:$0x691]  }
0xc8: {  	[smem:$0x491] =	sst s10  }
0xc9: {  	[smem:$0x511] =	sst s3;
	s3 =	sadd.s32 $0x800, s22  }
0xca: {  	s5 =	sadd.s32 $0x800, s23;
	s10 =	sld [smem:$0x711];
	p0 =	slt.s32 s3, s4  }
0xcb: {  	s4 =	smov.u32 @p0 s3;
	p0 =	slt.s32 s5, s6;
	s3 =	sld [smem:$0x791]  }
0xcc: {  	[smem:$0x591] =	sst s4;
	s6 =	smov.u32 @p0 s5;
	s4 =	sadd.s32 $0x800, s24  }
0xcd: {  	s5 =	sadd.s32 $0x800, s25;
	[smem:$0x611] =	sst s6;
	p0 =	slt.s32 s4, s8  }
0xce: {  	s8 =	smov.u32 @p0 s4;
	p0 =	slt.s32 s5, s10;
	s4 =	sadd.s32 $0x800, s26  }
0xcf: {  	[smem:$0x691] =	sst s8;
	s10 =	smov.u32 @p0 s5;
	p0 =	slt.s32 s4, s3  }
0xd0: {  	[smem:$0x711] =	sst s10;
	s3 =	smov.u32 @p0 s4  }
0xd1: {  	s0 =	sadd.s32 $0xC00, s12;
	[smem:$0x791] =	sst s3  }
0xd2: {  	[hbm:s0], [sflag:s14] =	dma.local [smem:s2], $0x100  }
0xd3: {  	_ =	swait.ge [sflag:s14], $0x100  }
0xd4: {  	[sflag:s14] =	ssyncset.done $0x0  }
0xd5: {  	[sflag:s14] =	ssyncadd.s32 $0xFFFFFF00  }
0xd6: {  	_ =	strace $0x90000046  }
0xd7: {  	_ =	sfence  }
0xd8: {  	s28 =	sld [smem:$0x0];
	_ =	sdelay $0x1  }
0xd9: {  	s29 =	srdreg.scid  }
0xda: {  	s30 =	sshll.u32 s29, $0xD;
	s31 =	sshrl.u32 s29, $0x2  }
0xdb: {  	s1 =	sand.u32 $0x1, s29;
	s2 =	sand.u32 $0x4000, s30;
	s0 =	sadd.s32 s31, s28  }
0xdc: {  	s1 =	sor.u32 s2, s1;
	s0 =	sshll.u32 s0, $0x11  }
0xdd: {  	s0 =	sor.u32 s0, s1  }
0xde: {  	s0 =	sadd.s32 $0x8F2B, s0;
	(pc) =	sbr.abs _section_cstart, $3  }
0xdf: {  	[sflag:s0] =	ssyncadd.remote.s32 $0x1  }
0xe0: {  	_ =	strace $0x9FFFFFFF  }
0xe1: {  	(tm) =	ssettm $0x7FFFFFFF  }

</sc_bundles>
